<compile_context>
chip_gen: v7x
topology: tpu7x:2x2x1
jax: 0.10.2.dev20260603
libtpu: 0.0.44.dev20260713+nightly
codegen_flags: <defaults>
</compile_context>

<pallas_src>
import jax
import jax.numpy as jnp
from jax import lax
from jax.experimental import pallas as pl
from jax.experimental.pallas import tpu as pltpu
from jax.experimental.pallas import tpu_sc as plsc

BATCH = 1024
SEQ = 200
EMBED = 128
N = BATCH * SEQ
NW = 32
PER_W = N // NW
CHUNK = 64
NCH = PER_W // CHUNK
K = 12
H = K // 2


def _emb(idx_hbm, table_hbm, out_hbm, idx_v, rows_v, gsem, wsem):
    nc = 2
    wid = lax.axis_index("s") * nc + lax.axis_index("c")
    base = wid * PER_W
    pltpu.sync_copy(idx_hbm.at[pl.ds(base, PER_W)], idx_v)

    def gather(j, b):
        return pltpu.async_copy(
            table_hbm.at[idx_v.at[pl.ds(j * CHUNK, CHUNK)]],
            rows_v.at[pl.ds(b * CHUNK, CHUNK)], gsem.at[b])

    def wait_gather(b):
        pltpu.make_async_copy(
            table_hbm.at[idx_v.at[pl.ds(0, CHUNK)]],
            rows_v.at[pl.ds(b * CHUNK, CHUNK)], gsem.at[b]).wait()

    def write(j, b):
        return pltpu.async_copy(
            rows_v.at[pl.ds(b * CHUNK, CHUNK)],
            out_hbm.at[pl.ds(base + j * CHUNK, CHUNK)], wsem.at[b])

    def wait_write(b):
        pltpu.make_async_copy(
            rows_v.at[pl.ds(b * CHUNK, CHUNK)],
            out_hbm.at[pl.ds(base, CHUNK)], wsem.at[b]).wait()

    for b in range(K):
        gather(b, b)

    def body(j, carry):
        b = lax.rem(j, K)
        wait_gather(b)
        write(j, b)
        r = j - H
        rb = lax.rem(j + H, K)

        @pl.when((r >= 0) & (r + K < NCH))
        def _():
            wait_write(rb)
            gather(r + K, rb)

        return carry

    lax.fori_loop(0, NCH, body, 0)

    def drain(b, carry):
        wait_write(b)
        return carry

    lax.fori_loop(0, K, drain, 0)


@jax.jit
def _lookup(idx, table):
    mesh = plsc.VectorSubcoreMesh(core_axis_name="c", subcore_axis_name="s")
    return pl.kernel(
        _emb,
        out_type=jax.ShapeDtypeStruct((N, EMBED), jnp.float32),
        mesh=mesh,
        scratch_types=[
            pltpu.VMEM((PER_W,), jnp.int32),
            pltpu.VMEM((K * CHUNK, EMBED), jnp.float32),
            pltpu.SemaphoreType.DMA((K,)),
            pltpu.SemaphoreType.DMA((K,)),
        ],
    )(idx, table)


def kernel(x, hidden_h, hidden_c, table):
    idx = x.reshape(N)
    embeds = _lookup(idx, table).reshape(BATCH, SEQ, EMBED)
    return (embeds, hidden_h, hidden_c)

# --- scband reference (transcript-rebuilt; emitter-appended) ---
"""Pipeline reference for scband-sentiment-rnn-17145509446354 (READ-ONLY COPY).

The authoritative reference and input builder live on the scoring server;
editing this copy changes nothing except your own understanding.
"""

import jax, jax.numpy as jnp
import numpy as np

VOCAB = 100000
EMBED_DIM = 128
HIDDEN_DIM = 256
N_LAYERS = 2
BATCH = 1024
SEQ = 200

def setup_inputs(seed: int = 0) -> dict:
    key = jax.random.key(seed)
    k1, k2 = jax.random.split(key)
    x = jax.random.randint(k1, (BATCH, SEQ), 0, VOCAB, dtype=jnp.int64 if jax.config.jax_enable_x64 else jnp.int32).astype(jnp.int32)
    hidden_h = jnp.zeros((N_LAYERS, BATCH, HIDDEN_DIM), dtype=jnp.float32)
    hidden_c = jnp.zeros((N_LAYERS, BATCH, HIDDEN_DIM), dtype=jnp.float32)
    table = jax.random.normal(k2, (VOCAB, EMBED_DIM), dtype=jnp.float32) * 0.02
    return {"x": x, "hidden_h": hidden_h, "hidden_c": hidden_c, "table": table}

def reference(x, hidden_h, hidden_c, table):
    # Faithful translation of the (truncated) SentimentRNN.forward: the only
    # parameterized op defined in __init__ is the embedding lookup. The forward
    # output is the embedded sequence plus the pass-through hidden state tuple.
    embeds = jnp.take(table, x, axis=0)  # [B, L, D] gather -> SparseCore embedding lookup
    return (embeds, hidden_h, hidden_c)

if __name__ == "__main__":
    import jax
    _d = setup_inputs()
    print(jax.jit(kernel)(*tuple(_d.values())))

</pallas_src>

<mosaic_0001>
#map = affine_map<(d0, d1) -> (0)>
#map1 = affine_map<(d0, d1) -> (0, 0)>
module attributes {stable_mosaic.version = 14 : i64} {
  func.func @_emb(%arg0: i32, %arg1: i32, %arg2: memref<204800xi32, #tpu.memory_space<hbm>>, %arg3: memref<100000x128xf32, #tpu.memory_space<hbm>>, %arg4: memref<204800x128xf32, #tpu.memory_space<hbm>>, %arg5: memref<6400xi32, #tpu.memory_space<vmem>>, %arg6: memref<768x128xf32, #tpu.memory_space<vmem>>, %arg7: memref<12x!tpu.dma_semaphore, #tpu.memory_space<semaphore_mem>>, %arg8: memref<12x!tpu.dma_semaphore, #tpu.memory_space<semaphore_mem>>) attributes {dimension_semantics = [#tpu.dimension_semantics<core_parallel>, #tpu.dimension_semantics<subcore_parallel>], iteration_bounds = array<i64: 2, 16>, scalar_prefetch = 0 : i64, scratch_operands = 4 : i64, tpu.core_type = #tpu.core_type<sc_vector_subcore>, window_params = [{transform_indices = #map}, {transform_indices = #map1}, {transform_indices = #map1}]} {
    %mul3A = arith.constant 2 : i32
    %mul3A_0 = arith.muli %arg1, %mul3A : i32
    %add3A = arith.addi %mul3A_0, %arg0 : i32
    %mul3A_1 = arith.constant 6400 : i32
    %mul3A_2 = arith.muli %add3A, %mul3A_1 : i32
    "tpu.region"() ({
      %run_scoped3A = tpu.sem_alloc : memref<!tpu.dma_semaphore, #tpu.memory_space<semaphore_mem>>
      %dma_start3A_145 = tpu.memref_slice %arg2[%mul3A_2] : memref<204800xi32, #tpu.memory_space<hbm>> -> memref<6400xi32, #tpu.memory_space<hbm>>
      %dma_start3A_146 = tpu.memref_slice %arg2[%mul3A_2] : memref<204800xi32, #tpu.memory_space<hbm>> -> memref<6400xi32, #tpu.memory_space<hbm>>
      tpu.enqueue_dma source(%dma_start3A_146 : memref<6400xi32, #tpu.memory_space<hbm>>) target(%arg5 : memref<6400xi32, #tpu.memory_space<vmem>>) target_semaphore(%run_scoped3A : memref<!tpu.dma_semaphore, #tpu.memory_space<semaphore_mem>>)
      %dma_wait3A = tpu.memref_slice %arg2[%mul3A_2] : memref<204800xi32, #tpu.memory_space<hbm>> -> memref<6400xi32, #tpu.memory_space<hbm>>
      %dma_wait3A_147 = tpu.memref_slice %arg2[%mul3A_2] : memref<204800xi32, #tpu.memory_space<hbm>> -> memref<6400xi32, #tpu.memory_space<hbm>>
      tpu.wait_dma2 semaphore(%run_scoped3A : memref<!tpu.dma_semaphore, #tpu.memory_space<semaphore_mem>>) src(%dma_wait3A_147 : memref<6400xi32, #tpu.memory_space<hbm>>) dst(%arg5 : memref<6400xi32, #tpu.memory_space<vmem>>)
      tpu.yield
    }) : () -> ()
    %dma_start3A = arith.constant 0 : i32
    %dma_start3A_3 = arith.constant 0 : i32
    %dma_start3A_4 = arith.constant 0 : i32
    %dma_start3A_5 = tpu.memref_slice %arg6[%dma_start3A_3, %dma_start3A_4] : memref<768x128xf32, #tpu.memory_space<vmem>> -> memref<64x128xf32, #tpu.memory_space<vmem>>
    %dma_start3A_6 = arith.constant 0 : i32
    %dma_start3A_7 = tpu.memref_slice %arg5[%dma_start3A_6] : memref<6400xi32, #tpu.memory_space<vmem>> -> memref<64xi32, #tpu.memory_space<vmem>>
    %dma_start3A_8 = arith.constant 0 : i32
    %dma_start3A_9 = arith.constant 0 : i32
    %dma_start3A_10 = tpu.memref_slice %arg3[%dma_start3A_8, %dma_start3A_9] : memref<100000x128xf32, #tpu.memory_space<hbm>> -> memref<100000x128xf32, #tpu.memory_space<hbm>>
    %dma_start3A_11 = tpu.memref_slice %arg7[%dma_start3A] : memref<12x!tpu.dma_semaphore, #tpu.memory_space<semaphore_mem>> -> memref<1x!tpu.dma_semaphore, #tpu.memory_space<semaphore_mem>>
    %dma_start3A_12 = tpu.memref_squeeze %dma_start3A_11 : memref<1x!tpu.dma_semaphore, #tpu.memory_space<semaphore_mem>> -> memref<!tpu.dma_semaphore, #tpu.memory_space<semaphore_mem>>
    tpu.enqueue_indirect_dma source(%dma_start3A_10 : memref<100000x128xf32, #tpu.memory_space<hbm>>) target(%dma_start3A_5 : memref<64x128xf32, #tpu.memory_space<vmem>>) offsets(%dma_start3A_7 : memref<64xi32, #tpu.memory_space<vmem>>) semaphore(%dma_start3A_12 : memref<!tpu.dma_semaphore, #tpu.memory_space<semaphore_mem>>)
    %dma_start3A_13 = arith.constant 1 : i32
    %dma_start3A_14 = arith.constant 64 : i32
    %dma_start3A_15 = arith.constant 0 : i32
    %dma_start3A_16 = tpu.memref_slice %arg6[%dma_start3A_14, %dma_start3A_15] : memref<768x128xf32, #tpu.memory_space<vmem>> -> memref<64x128xf32, #tpu.memory_space<vmem>>
    %dma_start3A_17 = arith.constant 64 : i32
    %dma_start3A_18 = tpu.memref_slice %arg5[%dma_start3A_17] : memref<6400xi32, #tpu.memory_space<vmem>> -> memref<64xi32, #tpu.memory_space<vmem>>
    %dma_start3A_19 = arith.constant 0 : i32
    %dma_start3A_20 = arith.constant 0 : i32
    %dma_start3A_21 = tpu.memref_slice %arg3[%dma_start3A_19, %dma_start3A_20] : memref<100000x128xf32, #tpu.memory_space<hbm>> -> memref<100000x128xf32, #tpu.memory_space<hbm>>
    %dma_start3A_22 = tpu.memref_slice %arg7[%dma_start3A_13] : memref<12x!tpu.dma_semaphore, #tpu.memory_space<semaphore_mem>> -> memref<1x!tpu.dma_semaphore, #tpu.memory_space<semaphore_mem>>
    %dma_start3A_23 = tpu.memref_squeeze %dma_start3A_22 : memref<1x!tpu.dma_semaphore, #tpu.memory_space<semaphore_mem>> -> memref<!tpu.dma_semaphore, #tpu.memory_space<semaphore_mem>>
    tpu.enqueue_indirect_dma source(%dma_start3A_21 : memref<100000x128xf32, #tpu.memory_space<hbm>>) target(%dma_start3A_16 : memref<64x128xf32, #tpu.memory_space<vmem>>) offsets(%dma_start3A_18 : memref<64xi32, #tpu.memory_space<vmem>>) semaphore(%dma_start3A_23 : memref<!tpu.dma_semaphore, #tpu.memory_space<semaphore_mem>>)
    %dma_start3A_24 = arith.constant 2 : i32
    %dma_start3A_25 = arith.constant 128 : i32
    %dma_start3A_26 = arith.constant 0 : i32
    %dma_start3A_27 = tpu.memref_slice %arg6[%dma_start3A_25, %dma_start3A_26] : memref<768x128xf32, #tpu.memory_space<vmem>> -> memref<64x128xf32, #tpu.memory_space<vmem>>
    %dma_start3A_28 = arith.constant 128 : i32
    %dma_start3A_29 = tpu.memref_slice %arg5[%dma_start3A_28] : memref<6400xi32, #tpu.memory_space<vmem>> -> memref<64xi32, #tpu.memory_space<vmem>>
    %dma_start3A_30 = arith.constant 0 : i32
    %dma_start3A_31 = arith.constant 0 : i32
    %dma_start3A_32 = tpu.memref_slice %arg3[%dma_start3A_30, %dma_start3A_31] : memref<100000x128xf32, #tpu.memory_space<hbm>> -> memref<100000x128xf32, #tpu.memory_space<hbm>>
    %dma_start3A_33 = tpu.memref_slice %arg7[%dma_start3A_24] : memref<12x!tpu.dma_semaphore, #tpu.memory_space<semaphore_mem>> -> memref<1x!tpu.dma_semaphore, #tpu.memory_space<semaphore_mem>>
    %dma_start3A_34 = tpu.memref_squeeze %dma_start3A_33 : memref<1x!tpu.dma_semaphore, #tpu.memory_space<semaphore_mem>> -> memref<!tpu.dma_semaphore, #tpu.memory_space<semaphore_mem>>
    tpu.enqueue_indirect_dma source(%dma_start3A_32 : memref<100000x128xf32, #tpu.memory_space<hbm>>) target(%dma_start3A_27 : memref<64x128xf32, #tpu.memory_space<vmem>>) offsets(%dma_start3A_29 : memref<64xi32, #tpu.memory_space<vmem>>) semaphore(%dma_start3A_34 : memref<!tpu.dma_semaphore, #tpu.memory_space<semaphore_mem>>)
    %dma_start3A_35 = arith.constant 3 : i32
    %dma_start3A_36 = arith.constant 192 : i32
    %dma_start3A_37 = arith.constant 0 : i32
    %dma_start3A_38 = tpu.memref_slice %arg6[%dma_start3A_36, %dma_start3A_37] : memref<768x128xf32, #tpu.memory_space<vmem>> -> memref<64x128xf32, #tpu.memory_space<vmem>>
    %dma_start3A_39 = arith.constant 192 : i32
    %dma_start3A_40 = tpu.memref_slice %arg5[%dma_start3A_39] : memref<6400xi32, #tpu.memory_space<vmem>> -> memref<64xi32, #tpu.memory_space<vmem>>
    %dma_start3A_41 = arith.constant 0 : i32
    %dma_start3A_42 = arith.constant 0 : i32
    %dma_start3A_43 = tpu.memref_slice %arg3[%dma_start3A_41, %dma_start3A_42] : memref<100000x128xf32, #tpu.memory_space<hbm>> -> memref<100000x128xf32, #tpu.memory_space<hbm>>
    %dma_start3A_44 = tpu.memref_slice %arg7[%dma_start3A_35] : memref<12x!tpu.dma_semaphore, #tpu.memory_space<semaphore_mem>> -> memref<1x!tpu.dma_semaphore, #tpu.memory_space<semaphore_mem>>
    %dma_start3A_45 = tpu.memref_squeeze %dma_start3A_44 : memref<1x!tpu.dma_semaphore, #tpu.memory_space<semaphore_mem>> -> memref<!tpu.dma_semaphore, #tpu.memory_space<semaphore_mem>>
    tpu.enqueue_indirect_dma source(%dma_start3A_43 : memref<100000x128xf32, #tpu.memory_space<hbm>>) target(%dma_start3A_38 : memref<64x128xf32, #tpu.memory_space<vmem>>) offsets(%dma_start3A_40 : memref<64xi32, #tpu.memory_space<vmem>>) semaphore(%dma_start3A_45 : memref<!tpu.dma_semaphore, #tpu.memory_space<semaphore_mem>>)
    %dma_start3A_46 = arith.constant 4 : i32
    %dma_start3A_47 = arith.constant 256 : i32
    %dma_start3A_48 = arith.constant 0 : i32
    %dma_start3A_49 = tpu.memref_slice %arg6[%dma_start3A_47, %dma_start3A_48] : memref<768x128xf32, #tpu.memory_space<vmem>> -> memref<64x128xf32, #tpu.memory_space<vmem>>
    %dma_start3A_50 = arith.constant 256 : i32
    %dma_start3A_51 = tpu.memref_slice %arg5[%dma_start3A_50] : memref<6400xi32, #tpu.memory_space<vmem>> -> memref<64xi32, #tpu.memory_space<vmem>>
    %dma_start3A_52 = arith.constant 0 : i32
    %dma_start3A_53 = arith.constant 0 : i32
    %dma_start3A_54 = tpu.memref_slice %arg3[%dma_start3A_52, %dma_start3A_53] : memref<100000x128xf32, #tpu.memory_space<hbm>> -> memref<100000x128xf32, #tpu.memory_space<hbm>>
    %dma_start3A_55 = tpu.memref_slice %arg7[%dma_start3A_46] : memref<12x!tpu.dma_semaphore, #tpu.memory_space<semaphore_mem>> -> memref<1x!tpu.dma_semaphore, #tpu.memory_space<semaphore_mem>>
    %dma_start3A_56 = tpu.memref_squeeze %dma_start3A_55 : memref<1x!tpu.dma_semaphore, #tpu.memory_space<semaphore_mem>> -> memref<!tpu.dma_semaphore, #tpu.memory_space<semaphore_mem>>
    tpu.enqueue_indirect_dma source(%dma_start3A_54 : memref<100000x128xf32, #tpu.memory_space<hbm>>) target(%dma_start3A_49 : memref<64x128xf32, #tpu.memory_space<vmem>>) offsets(%dma_start3A_51 : memref<64xi32, #tpu.memory_space<vmem>>) semaphore(%dma_start3A_56 : memref<!tpu.dma_semaphore, #tpu.memory_space<semaphore_mem>>)
    %dma_start3A_57 = arith.constant 5 : i32
    %dma_start3A_58 = arith.constant 320 : i32
    %dma_start3A_59 = arith.constant 0 : i32
    %dma_start3A_60 = tpu.memref_slice %arg6[%dma_start3A_58, %dma_start3A_59] : memref<768x128xf32, #tpu.memory_space<vmem>> -> memref<64x128xf32, #tpu.memory_space<vmem>>
    %dma_start3A_61 = arith.constant 320 : i32
    %dma_start3A_62 = tpu.memref_slice %arg5[%dma_start3A_61] : memref<6400xi32, #tpu.memory_space<vmem>> -> memref<64xi32, #tpu.memory_space<vmem>>
    %dma_start3A_63 = arith.constant 0 : i32
    %dma_start3A_64 = arith.constant 0 : i32
    %dma_start3A_65 = tpu.memref_slice %arg3[%dma_start3A_63, %dma_start3A_64] : memref<100000x128xf32, #tpu.memory_space<hbm>> -> memref<100000x128xf32, #tpu.memory_space<hbm>>
    %dma_start3A_66 = tpu.memref_slice %arg7[%dma_start3A_57] : memref<12x!tpu.dma_semaphore, #tpu.memory_space<semaphore_mem>> -> memref<1x!tpu.dma_semaphore, #tpu.memory_space<semaphore_mem>>
    %dma_start3A_67 = tpu.memref_squeeze %dma_start3A_66 : memref<1x!tpu.dma_semaphore, #tpu.memory_space<semaphore_mem>> -> memref<!tpu.dma_semaphore, #tpu.memory_space<semaphore_mem>>
    tpu.enqueue_indirect_dma source(%dma_start3A_65 : memref<100000x128xf32, #tpu.memory_space<hbm>>) target(%dma_start3A_60 : memref<64x128xf32, #tpu.memory_space<vmem>>) offsets(%dma_start3A_62 : memref<64xi32, #tpu.memory_space<vmem>>) semaphore(%dma_start3A_67 : memref<!tpu.dma_semaphore, #tpu.memory_space<semaphore_mem>>)
    %dma_start3A_68 = arith.constant 6 : i32
    %dma_start3A_69 = arith.constant 384 : i32
    %dma_start3A_70 = arith.constant 0 : i32
    %dma_start3A_71 = tpu.memref_slice %arg6[%dma_start3A_69, %dma_start3A_70] : memref<768x128xf32, #tpu.memory_space<vmem>> -> memref<64x128xf32, #tpu.memory_space<vmem>>
    %dma_start3A_72 = arith.constant 384 : i32
    %dma_start3A_73 = tpu.memref_slice %arg5[%dma_start3A_72] : memref<6400xi32, #tpu.memory_space<vmem>> -> memref<64xi32, #tpu.memory_space<vmem>>
    %dma_start3A_74 = arith.constant 0 : i32
    %dma_start3A_75 = arith.constant 0 : i32
    %dma_start3A_76 = tpu.memref_slice %arg3[%dma_start3A_74, %dma_start3A_75] : memref<100000x128xf32, #tpu.memory_space<hbm>> -> memref<100000x128xf32, #tpu.memory_space<hbm>>
    %dma_start3A_77 = tpu.memref_slice %arg7[%dma_start3A_68] : memref<12x!tpu.dma_semaphore, #tpu.memory_space<semaphore_mem>> -> memref<1x!tpu.dma_semaphore, #tpu.memory_space<semaphore_mem>>
    %dma_start3A_78 = tpu.memref_squeeze %dma_start3A_77 : memref<1x!tpu.dma_semaphore, #tpu.memory_space<semaphore_mem>> -> memref<!tpu.dma_semaphore, #tpu.memory_space<semaphore_mem>>
    tpu.enqueue_indirect_dma source(%dma_start3A_76 : memref<100000x128xf32, #tpu.memory_space<hbm>>) target(%dma_start3A_71 : memref<64x128xf32, #tpu.memory_space<vmem>>) offsets(%dma_start3A_73 : memref<64xi32, #tpu.memory_space<vmem>>) semaphore(%dma_start3A_78 : memref<!tpu.dma_semaphore, #tpu.memory_space<semaphore_mem>>)
    %dma_start3A_79 = arith.constant 7 : i32
    %dma_start3A_80 = arith.constant 448 : i32
    %dma_start3A_81 = arith.constant 0 : i32
    %dma_start3A_82 = tpu.memref_slice %arg6[%dma_start3A_80, %dma_start3A_81] : memref<768x128xf32, #tpu.memory_space<vmem>> -> memref<64x128xf32, #tpu.memory_space<vmem>>
    %dma_start3A_83 = arith.constant 448 : i32
    %dma_start3A_84 = tpu.memref_slice %arg5[%dma_start3A_83] : memref<6400xi32, #tpu.memory_space<vmem>> -> memref<64xi32, #tpu.memory_space<vmem>>
    %dma_start3A_85 = arith.constant 0 : i32
    %dma_start3A_86 = arith.constant 0 : i32
    %dma_start3A_87 = tpu.memref_slice %arg3[%dma_start3A_85, %dma_start3A_86] : memref<100000x128xf32, #tpu.memory_space<hbm>> -> memref<100000x128xf32, #tpu.memory_space<hbm>>
    %dma_start3A_88 = tpu.memref_slice %arg7[%dma_start3A_79] : memref<12x!tpu.dma_semaphore, #tpu.memory_space<semaphore_mem>> -> memref<1x!tpu.dma_semaphore, #tpu.memory_space<semaphore_mem>>
    %dma_start3A_89 = tpu.memref_squeeze %dma_start3A_88 : memref<1x!tpu.dma_semaphore, #tpu.memory_space<semaphore_mem>> -> memref<!tpu.dma_semaphore, #tpu.memory_space<semaphore_mem>>
    tpu.enqueue_indirect_dma source(%dma_start3A_87 : memref<100000x128xf32, #tpu.memory_space<hbm>>) target(%dma_start3A_82 : memref<64x128xf32, #tpu.memory_space<vmem>>) offsets(%dma_start3A_84 : memref<64xi32, #tpu.memory_space<vmem>>) semaphore(%dma_start3A_89 : memref<!tpu.dma_semaphore, #tpu.memory_space<semaphore_mem>>)
    %dma_start3A_90 = arith.constant 8 : i32
    %dma_start3A_91 = arith.constant 512 : i32
    %dma_start3A_92 = arith.constant 0 : i32
    %dma_start3A_93 = tpu.memref_slice %arg6[%dma_start3A_91, %dma_start3A_92] : memref<768x128xf32, #tpu.memory_space<vmem>> -> memref<64x128xf32, #tpu.memory_space<vmem>>
    %dma_start3A_94 = arith.constant 512 : i32
    %dma_start3A_95 = tpu.memref_slice %arg5[%dma_start3A_94] : memref<6400xi32, #tpu.memory_space<vmem>> -> memref<64xi32, #tpu.memory_space<vmem>>
    %dma_start3A_96 = arith.constant 0 : i32
    %dma_start3A_97 = arith.constant 0 : i32
    %dma_start3A_98 = tpu.memref_slice %arg3[%dma_start3A_96, %dma_start3A_97] : memref<100000x128xf32, #tpu.memory_space<hbm>> -> memref<100000x128xf32, #tpu.memory_space<hbm>>
    %dma_start3A_99 = tpu.memref_slice %arg7[%dma_start3A_90] : memref<12x!tpu.dma_semaphore, #tpu.memory_space<semaphore_mem>> -> memref<1x!tpu.dma_semaphore, #tpu.memory_space<semaphore_mem>>
    %dma_start3A_100 = tpu.memref_squeeze %dma_start3A_99 : memref<1x!tpu.dma_semaphore, #tpu.memory_space<semaphore_mem>> -> memref<!tpu.dma_semaphore, #tpu.memory_space<semaphore_mem>>
    tpu.enqueue_indirect_dma source(%dma_start3A_98 : memref<100000x128xf32, #tpu.memory_space<hbm>>) target(%dma_start3A_93 : memref<64x128xf32, #tpu.memory_space<vmem>>) offsets(%dma_start3A_95 : memref<64xi32, #tpu.memory_space<vmem>>) semaphore(%dma_start3A_100 : memref<!tpu.dma_semaphore, #tpu.memory_space<semaphore_mem>>)
    %dma_start3A_101 = arith.constant 9 : i32
    %dma_start3A_102 = arith.constant 576 : i32
    %dma_start3A_103 = arith.constant 0 : i32
    %dma_start3A_104 = tpu.memref_slice %arg6[%dma_start3A_102, %dma_start3A_103] : memref<768x128xf32, #tpu.memory_space<vmem>> -> memref<64x128xf32, #tpu.memory_space<vmem>>
    %dma_start3A_105 = arith.constant 576 : i32
    %dma_start3A_106 = tpu.memref_slice %arg5[%dma_start3A_105] : memref<6400xi32, #tpu.memory_space<vmem>> -> memref<64xi32, #tpu.memory_space<vmem>>
    %dma_start3A_107 = arith.constant 0 : i32
    %dma_start3A_108 = arith.constant 0 : i32
    %dma_start3A_109 = tpu.memref_slice %arg3[%dma_start3A_107, %dma_start3A_108] : memref<100000x128xf32, #tpu.memory_space<hbm>> -> memref<100000x128xf32, #tpu.memory_space<hbm>>
    %dma_start3A_110 = tpu.memref_slice %arg7[%dma_start3A_101] : memref<12x!tpu.dma_semaphore, #tpu.memory_space<semaphore_mem>> -> memref<1x!tpu.dma_semaphore, #tpu.memory_space<semaphore_mem>>
    %dma_start3A_111 = tpu.memref_squeeze %dma_start3A_110 : memref<1x!tpu.dma_semaphore, #tpu.memory_space<semaphore_mem>> -> memref<!tpu.dma_semaphore, #tpu.memory_space<semaphore_mem>>
    tpu.enqueue_indirect_dma source(%dma_start3A_109 : memref<100000x128xf32, #tpu.memory_space<hbm>>) target(%dma_start3A_104 : memref<64x128xf32, #tpu.memory_space<vmem>>) offsets(%dma_start3A_106 : memref<64xi32, #tpu.memory_space<vmem>>) semaphore(%dma_start3A_111 : memref<!tpu.dma_semaphore, #tpu.memory_space<semaphore_mem>>)
    %dma_start3A_112 = arith.constant 10 : i32
    %dma_start3A_113 = arith.constant 640 : i32
    %dma_start3A_114 = arith.constant 0 : i32
    %dma_start3A_115 = tpu.memref_slice %arg6[%dma_start3A_113, %dma_start3A_114] : memref<768x128xf32, #tpu.memory_space<vmem>> -> memref<64x128xf32, #tpu.memory_space<vmem>>
    %dma_start3A_116 = arith.constant 640 : i32
    %dma_start3A_117 = tpu.memref_slice %arg5[%dma_start3A_116] : memref<6400xi32, #tpu.memory_space<vmem>> -> memref<64xi32, #tpu.memory_space<vmem>>
    %dma_start3A_118 = arith.constant 0 : i32
    %dma_start3A_119 = arith.constant 0 : i32
    %dma_start3A_120 = tpu.memref_slice %arg3[%dma_start3A_118, %dma_start3A_119] : memref<100000x128xf32, #tpu.memory_space<hbm>> -> memref<100000x128xf32, #tpu.memory_space<hbm>>
    %dma_start3A_121 = tpu.memref_slice %arg7[%dma_start3A_112] : memref<12x!tpu.dma_semaphore, #tpu.memory_space<semaphore_mem>> -> memref<1x!tpu.dma_semaphore, #tpu.memory_space<semaphore_mem>>
    %dma_start3A_122 = tpu.memref_squeeze %dma_start3A_121 : memref<1x!tpu.dma_semaphore, #tpu.memory_space<semaphore_mem>> -> memref<!tpu.dma_semaphore, #tpu.memory_space<semaphore_mem>>
    tpu.enqueue_indirect_dma source(%dma_start3A_120 : memref<100000x128xf32, #tpu.memory_space<hbm>>) target(%dma_start3A_115 : memref<64x128xf32, #tpu.memory_space<vmem>>) offsets(%dma_start3A_117 : memref<64xi32, #tpu.memory_space<vmem>>) semaphore(%dma_start3A_122 : memref<!tpu.dma_semaphore, #tpu.memory_space<semaphore_mem>>)
    %dma_start3A_123 = arith.constant 11 : i32
    %dma_start3A_124 = arith.constant 704 : i32
    %dma_start3A_125 = arith.constant 0 : i32
    %dma_start3A_126 = tpu.memref_slice %arg6[%dma_start3A_124, %dma_start3A_125] : memref<768x128xf32, #tpu.memory_space<vmem>> -> memref<64x128xf32, #tpu.memory_space<vmem>>
    %dma_start3A_127 = arith.constant 704 : i32
    %dma_start3A_128 = tpu.memref_slice %arg5[%dma_start3A_127] : memref<6400xi32, #tpu.memory_space<vmem>> -> memref<64xi32, #tpu.memory_space<vmem>>
    %dma_start3A_129 = arith.constant 0 : i32
    %dma_start3A_130 = arith.constant 0 : i32
    %dma_start3A_131 = tpu.memref_slice %arg3[%dma_start3A_129, %dma_start3A_130] : memref<100000x128xf32, #tpu.memory_space<hbm>> -> memref<100000x128xf32, #tpu.memory_space<hbm>>
    %dma_start3A_132 = tpu.memref_slice %arg7[%dma_start3A_123] : memref<12x!tpu.dma_semaphore, #tpu.memory_space<semaphore_mem>> -> memref<1x!tpu.dma_semaphore, #tpu.memory_space<semaphore_mem>>
    %dma_start3A_133 = tpu.memref_squeeze %dma_start3A_132 : memref<1x!tpu.dma_semaphore, #tpu.memory_space<semaphore_mem>> -> memref<!tpu.dma_semaphore, #tpu.memory_space<semaphore_mem>>
    tpu.enqueue_indirect_dma source(%dma_start3A_131 : memref<100000x128xf32, #tpu.memory_space<hbm>>) target(%dma_start3A_126 : memref<64x128xf32, #tpu.memory_space<vmem>>) offsets(%dma_start3A_128 : memref<64xi32, #tpu.memory_space<vmem>>) semaphore(%dma_start3A_133 : memref<!tpu.dma_semaphore, #tpu.memory_space<semaphore_mem>>)
    %scan3A = arith.constant 0 : i32
    %scan3A_134 = arith.constant 0 : i32
    %scan3A_135 = arith.constant 100 : i32
    %scan3A_136 = arith.addi %scan3A_134, %scan3A_135 : i32
    %scan3A_137 = arith.constant 1 : i32
    scf.for %scan3A_145 = %scan3A_134 to %scan3A_136 step %scan3A_137  : i32 {
      %rem3A = arith.constant 12 : i32
      %rem3A_146 = arith.remsi %scan3A_145, %rem3A : i32
      %mul3A_147 = arith.constant 64 : i32
      %mul3A_148 = arith.muli %rem3A_146, %mul3A_147 : i32
      %dma_wait3A = arith.constant 0 : i32
      %dma_wait3A_149 = tpu.memref_slice %arg6[%mul3A_148, %dma_wait3A] : memref<768x128xf32, #tpu.memory_space<vmem>> -> memref<64x128xf32, #tpu.memory_space<vmem>>
      %dma_wait3A_150 = arith.constant 0 : i32
      %dma_wait3A_151 = tpu.memref_slice %arg5[%dma_wait3A_150] : memref<6400xi32, #tpu.memory_space<vmem>> -> memref<64xi32, #tpu.memory_space<vmem>>
      %dma_wait3A_152 = arith.constant 0 : i32
      %dma_wait3A_153 = arith.constant 0 : i32
      %dma_wait3A_154 = tpu.memref_slice %arg3[%dma_wait3A_152, %dma_wait3A_153] : memref<100000x128xf32, #tpu.memory_space<hbm>> -> memref<100000x128xf32, #tpu.memory_space<hbm>>
      %dma_wait3A_155 = tpu.memref_slice %arg7[%rem3A_146] : memref<12x!tpu.dma_semaphore, #tpu.memory_space<semaphore_mem>> -> memref<1x!tpu.dma_semaphore, #tpu.memory_space<semaphore_mem>>
      %dma_wait3A_156 = tpu.memref_squeeze %dma_wait3A_155 : memref<1x!tpu.dma_semaphore, #tpu.memory_space<semaphore_mem>> -> memref<!tpu.dma_semaphore, #tpu.memory_space<semaphore_mem>>
      tpu.wait_indirect_dma semaphore(%dma_wait3A_156 : memref<!tpu.dma_semaphore, #tpu.memory_space<semaphore_mem>>) src(%dma_wait3A_154 : memref<100000x128xf32, #tpu.memory_space<hbm>>) dst(%dma_wait3A_149 : memref<64x128xf32, #tpu.memory_space<vmem>>)
      %mul3A_157 = arith.constant 64 : i32
      %mul3A_158 = arith.muli %rem3A_146, %mul3A_157 : i32
      %mul3A_159 = arith.constant 64 : i32
      %mul3A_160 = arith.muli %scan3A_145, %mul3A_159 : i32
      %add3A_161 = arith.addi %mul3A_2, %mul3A_160 : i32
      %dma_start3A_162 = arith.constant 0 : i32
      %dma_start3A_163 = tpu.memref_slice %arg6[%mul3A_158, %dma_start3A_162] : memref<768x128xf32, #tpu.memory_space<vmem>> -> memref<64x128xf32, #tpu.memory_space<vmem>>
      %dma_start3A_164 = arith.constant 0 : i32
      %dma_start3A_165 = tpu.memref_slice %arg4[%add3A_161, %dma_start3A_164] : memref<204800x128xf32, #tpu.memory_space<hbm>> -> memref<64x128xf32, #tpu.memory_space<hbm>>
      %dma_start3A_166 = tpu.memref_slice %arg8[%rem3A_146] : memref<12x!tpu.dma_semaphore, #tpu.memory_space<semaphore_mem>> -> memref<1x!tpu.dma_semaphore, #tpu.memory_space<semaphore_mem>>
      %dma_start3A_167 = tpu.memref_squeeze %dma_start3A_166 : memref<1x!tpu.dma_semaphore, #tpu.memory_space<semaphore_mem>> -> memref<!tpu.dma_semaphore, #tpu.memory_space<semaphore_mem>>
      %dma_start3A_168 = arith.constant 0 : i32
      %dma_start3A_169 = tpu.memref_slice %arg4[%add3A_161, %dma_start3A_168] : memref<204800x128xf32, #tpu.memory_space<hbm>> -> memref<64x128xf32, #tpu.memory_space<hbm>>
      %dma_start3A_170 = arith.constant 0 : i32
      %dma_start3A_171 = tpu.memref_slice %arg6[%mul3A_158, %dma_start3A_170] : memref<768x128xf32, #tpu.memory_space<vmem>> -> memref<64x128xf32, #tpu.memory_space<vmem>>
      tpu.enqueue_dma source(%dma_start3A_171 : memref<64x128xf32, #tpu.memory_space<vmem>>) target(%dma_start3A_169 : memref<64x128xf32, #tpu.memory_space<hbm>>) target_semaphore(%dma_start3A_167 : memref<!tpu.dma_semaphore, #tpu.memory_space<semaphore_mem>>)
      %sub3A = arith.constant 6 : i32
      %sub3A_172 = arith.subi %scan3A_145, %sub3A : i32
      %add3A_173 = arith.constant 6 : i32
      %add3A_174 = arith.addi %scan3A_145, %add3A_173 : i32
      %rem3A_175 = arith.constant 12 : i32
      %rem3A_176 = arith.remsi %add3A_174, %rem3A_175 : i32
      %ge3A = arith.constant 0 : i32
      %ge3A_177 = arith.cmpi sge, %sub3A_172, %ge3A : i32
      %add3A_178 = arith.constant 12 : i32
      %add3A_179 = arith.addi %sub3A_172, %add3A_178 : i32
      %lt3A = arith.constant 100 : i32
      %lt3A_180 = arith.cmpi slt, %add3A_179, %lt3A : i32
      %and3A = arith.andi %ge3A_177, %lt3A_180 : i1
      %convert_element_type3A = arith.extui %and3A : i1 to i32
      %cond3A = arith.constant 0 : i32
      %cond3A_181 = arith.cmpi ne, %convert_element_type3A, %cond3A : i32
      scf.if %cond3A_181 {
        %mul3A_182 = arith.constant 64 : i32
        %mul3A_183 = arith.muli %rem3A_176, %mul3A_182 : i32
        %dma_wait3A_184 = arith.constant 0 : i32
        %dma_wait3A_185 = tpu.memref_slice %arg6[%mul3A_183, %dma_wait3A_184] : memref<768x128xf32, #tpu.memory_space<vmem>> -> memref<64x128xf32, #tpu.memory_space<vmem>>
        %dma_wait3A_186 = arith.constant 0 : i32
        %dma_wait3A_187 = tpu.memref_slice %arg4[%mul3A_2, %dma_wait3A_186] : memref<204800x128xf32, #tpu.memory_space<hbm>> -> memref<64x128xf32, #tpu.memory_space<hbm>>
        %dma_wait3A_188 = tpu.memref_slice %arg8[%rem3A_176] : memref<12x!tpu.dma_semaphore, #tpu.memory_space<semaphore_mem>> -> memref<1x!tpu.dma_semaphore, #tpu.memory_space<semaphore_mem>>
        %dma_wait3A_189 = tpu.memref_squeeze %dma_wait3A_188 : memref<1x!tpu.dma_semaphore, #tpu.memory_space<semaphore_mem>> -> memref<!tpu.dma_semaphore, #tpu.memory_space<semaphore_mem>>
        %dma_wait3A_190 = arith.constant 0 : i32
        %dma_wait3A_191 = tpu.memref_slice %arg4[%mul3A_2, %dma_wait3A_190] : memref<204800x128xf32, #tpu.memory_space<hbm>> -> memref<64x128xf32, #tpu.memory_space<hbm>>
        %dma_wait3A_192 = arith.constant 0 : i32
        %dma_wait3A_193 = tpu.memref_slice %arg6[%mul3A_183, %dma_wait3A_192] : memref<768x128xf32, #tpu.memory_space<vmem>> -> memref<64x128xf32, #tpu.memory_space<vmem>>
        tpu.wait_dma2 semaphore(%dma_wait3A_189 : memref<!tpu.dma_semaphore, #tpu.memory_space<semaphore_mem>>) src(%dma_wait3A_193 : memref<64x128xf32, #tpu.memory_space<vmem>>) dst(%dma_wait3A_191 : memref<64x128xf32, #tpu.memory_space<hbm>>)
        %add3A_194 = arith.constant 12 : i32
        %add3A_195 = arith.addi %sub3A_172, %add3A_194 : i32
        %mul3A_196 = arith.constant 64 : i32
        %mul3A_197 = arith.muli %add3A_195, %mul3A_196 : i32
        %mul3A_198 = arith.constant 64 : i32
        %mul3A_199 = arith.muli %rem3A_176, %mul3A_198 : i32
        %dma_start3A_200 = arith.constant 0 : i32
        %dma_start3A_201 = tpu.memref_slice %arg6[%mul3A_199, %dma_start3A_200] : memref<768x128xf32, #tpu.memory_space<vmem>> -> memref<64x128xf32, #tpu.memory_space<vmem>>
        %dma_start3A_202 = tpu.memref_slice %arg5[%mul3A_197] : memref<6400xi32, #tpu.memory_space<vmem>> -> memref<64xi32, #tpu.memory_space<vmem>>
        %dma_start3A_203 = arith.constant 0 : i32
        %dma_start3A_204 = arith.constant 0 : i32
        %dma_start3A_205 = tpu.memref_slice %arg3[%dma_start3A_203, %dma_start3A_204] : memref<100000x128xf32, #tpu.memory_space<hbm>> -> memref<100000x128xf32, #tpu.memory_space<hbm>>
        %dma_start3A_206 = tpu.memref_slice %arg7[%rem3A_176] : memref<12x!tpu.dma_semaphore, #tpu.memory_space<semaphore_mem>> -> memref<1x!tpu.dma_semaphore, #tpu.memory_space<semaphore_mem>>
        %dma_start3A_207 = tpu.memref_squeeze %dma_start3A_206 : memref<1x!tpu.dma_semaphore, #tpu.memory_space<semaphore_mem>> -> memref<!tpu.dma_semaphore, #tpu.memory_space<semaphore_mem>>
        tpu.enqueue_indirect_dma source(%dma_start3A_205 : memref<100000x128xf32, #tpu.memory_space<hbm>>) target(%dma_start3A_201 : memref<64x128xf32, #tpu.memory_space<vmem>>) offsets(%dma_start3A_202 : memref<64xi32, #tpu.memory_space<vmem>>) semaphore(%dma_start3A_207 : memref<!tpu.dma_semaphore, #tpu.memory_space<semaphore_mem>>)
      } else {
      }
    }
    %scan3A_138 = arith.constant 100 : i32
    %scan3A_139 = arith.constant 0 : i32
    %scan3A_140 = arith.constant 0 : i32
    %scan3A_141 = arith.constant 12 : i32
    %scan3A_142 = arith.addi %scan3A_140, %scan3A_141 : i32
    %scan3A_143 = arith.constant 1 : i32
    scf.for %scan3A_145 = %scan3A_140 to %scan3A_142 step %scan3A_143  : i32 {
      %mul3A_146 = arith.constant 64 : i32
      %mul3A_147 = arith.muli %scan3A_145, %mul3A_146 : i32
      %dma_wait3A = arith.constant 0 : i32
      %dma_wait3A_148 = tpu.memref_slice %arg6[%mul3A_147, %dma_wait3A] : memref<768x128xf32, #tpu.memory_space<vmem>> -> memref<64x128xf32, #tpu.memory_space<vmem>>
      %dma_wait3A_149 = arith.constant 0 : i32
      %dma_wait3A_150 = tpu.memref_slice %arg4[%mul3A_2, %dma_wait3A_149] : memref<204800x128xf32, #tpu.memory_space<hbm>> -> memref<64x128xf32, #tpu.memory_space<hbm>>
      %dma_wait3A_151 = tpu.memref_slice %arg8[%scan3A_145] : memref<12x!tpu.dma_semaphore, #tpu.memory_space<semaphore_mem>> -> memref<1x!tpu.dma_semaphore, #tpu.memory_space<semaphore_mem>>
      %dma_wait3A_152 = tpu.memref_squeeze %dma_wait3A_151 : memref<1x!tpu.dma_semaphore, #tpu.memory_space<semaphore_mem>> -> memref<!tpu.dma_semaphore, #tpu.memory_space<semaphore_mem>>
      %dma_wait3A_153 = arith.constant 0 : i32
      %dma_wait3A_154 = tpu.memref_slice %arg4[%mul3A_2, %dma_wait3A_153] : memref<204800x128xf32, #tpu.memory_space<hbm>> -> memref<64x128xf32, #tpu.memory_space<hbm>>
      %dma_wait3A_155 = arith.constant 0 : i32
      %dma_wait3A_156 = tpu.memref_slice %arg6[%mul3A_147, %dma_wait3A_155] : memref<768x128xf32, #tpu.memory_space<vmem>> -> memref<64x128xf32, #tpu.memory_space<vmem>>
      tpu.wait_dma2 semaphore(%dma_wait3A_152 : memref<!tpu.dma_semaphore, #tpu.memory_space<semaphore_mem>>) src(%dma_wait3A_156 : memref<64x128xf32, #tpu.memory_space<vmem>>) dst(%dma_wait3A_154 : memref<64x128xf32, #tpu.memory_space<hbm>>)
    }
    %scan3A_144 = arith.constant 12 : i32
    return
  }
}

</mosaic_0001>

<sc_bundles>
// kernel: _lookup.3.cloned.1.call-start
scs
__scs_entry_jumppad:
0x0: {  	(pc) =	sbr.rel $0x88, $3  }
0x1: {  	(tag) =	ssettag $0x0;
	lr =	simm.s32 $0x1  }
0x2: {  	[smem:$0x3F9F] =	sst lr;
	_ =	strace $0xD0000000  }
0x3: {  	_ = 	snop  }
0x4: {  	_ = 	snop  }
0x5: {  	_ = 	snop  }
0x6: {  	_ = 	snop  }
0x7: {  	_ = 	snop  }
__scs_overlays_trampoline_lowered:
0x8: {  	[smem:$0x3FAE] =	sst s0  }
0x9: {  	[smem:$0x3FAF] =	sst s1  }
0xa: {  	[smem:$0x3FB0] =	sst s2  }
0xb: {  	[smem:$0x3FB1] =	sst s3  }
0xc: {  	[smem:$0x3FB2] =	sst s4  }
0xd: {  	[smem:$0x3FB3] =	sst s5  }
0xe: {  	[smem:$0x3FB4] =	sst s6  }
0xf: {  	[smem:$0x3FB5] =	sst s7  }
0x10: {  	[smem:$0x3FB6] =	sst s8  }
0x11: {  	[smem:$0x3FB7] =	sst s9;
	s0 =	simm.s32 @!p0 $0x0  }
0x12: {  	s1 =	sld [smem:$0x3F9D];
	s0 =	simm.s32 @p0 $0x1  }
0x13: {  	[smem:$0x3FB8] =	sst s0;
	s0 =	simm.s32 @!p1 $0x0  }
0x14: {  	s2 =	sld [smem:$0x3F9C];
	s0 =	simm.s32 @p1 $0x1  }
0x15: {  	[smem:$0x3FB9] =	sst s0;
	s0 =	simm.s32 @!p2 $0x0  }
0x16: {  	s3 =	sld [smem:$0x3FDB];
	s0 =	simm.s32 @p2 $0x1  }
0x17: {  	s4 =	simm.s32 $0x1BF5;
	[smem:$0x3FBB] =	sst s0  }
0x18: {  	s0 =	sld [smem:$0x3F9E];
	_ =	swait.ge [sflag:s4], $0x0  }
0x19: {  	s7 =	sld [smem:$0x3F9F]  }
0x1a: {  	s8 =	sadd.s32 $0xFFFFE003, lr  }
0x1b: {  	s9 =	sadd.s32 $0xFFFFFEF7, lr;
	s5 =	simm.s32 $0xFFFFFFFF;
	p2 =	slt.u32 s8, $0xFFFFF086  }
0x1c: {  	p1 =	slt.u32 s9, $0xF7A;
	s5 =	simm.s32 @!p2 $0x0  }
0x1d: {  	s5 =	simm.s32 @p1 $0x1;
	p0 =	seq.s32 s7, s2  }
0x1e: {  	s7 =	smul.u32 @!p0 $0xF7A, s2;
	p2 =	seq.s32 @!p0 s5, $0x0  }
0x1f: {  	s9 =	smul.u32 $0xF7A, s1;
	s8 =	simm.s32 @!p0 $0x1BF5;
	p2 =	por !p2, p0  }
0x20: {  	[sflag:s8] =	ssyncset.s32 @!p0 $0xFFFFF086;
	s6 =	sadd.s32 @!p0 s3, s7;
	s7 =	simm.s32 @!p0 $0x108  }
0x21: {  	s3 =	sadd.s32 s3, s9;
	s6 =	sadd.s32 @!p0 $0x88, s6;
	s7 =	simm.s32 @p2 $0x1082  }
0x22: {  	[simem:s7], [sflag:s8] =	dma.local @!p0 [hbm:s6], $0xF7A  }
0x23: {  	s9 =	sor.u32 $0xD0000000, s2;
	s6 =	simm.s32 $0x108;
	_ =	swait.ge @!p0 [sflag:s8], $0x0  }
0x24: {  	s3 =	sadd.s32 $0x88, s3;
	s6 =	simm.s32 @!p1 $0x1082;
	[sflag:s4] =	ssyncset.s32 $0xFFFFF086  }
0x25: {  	[simem:s6], [sflag:s4] =	dma.local [hbm:s3], $0xF7A  }
0x26: {  	[smem:$0x3F9F] =	sst s1;
	(tag) =	ssettag s2;
	_ =	strace s9  }
0x27: {  	s1 =	sld [smem:$0x3FAF]  }
0x28: {  	s2 =	sld [smem:$0x3FB0]  }
0x29: {  	s4 =	sld [smem:$0x3FB2]  }
0x2a: {  	p0 =	seq.s32 s5, $0x0;
	s5 =	sld [smem:$0x3FB3]  }
0x2b: {  	s6 =	sld [smem:$0x3FB4]  }
0x2c: {  	s7 =	sld [smem:$0x3FB5]  }
0x2d: {  	s3 =	simm.s32 $0x108;
	s8 =	sld [smem:$0x3FB6]  }
0x2e: {  	s3 =	simm.s32 @!p0 $0x1082;
	s9 =	sld [smem:$0x3FB7]  }
0x2f: {  	lr =	sadd.s32 s0, s3;
	s0 =	sld [smem:$0x3FAE]  }
0x30: {  	s3 =	sld [smem:$0x3FB1]  }
0x31: {  	[smem:$0x3FBA] =	sst s10  }
0x32: {  	s10 =	sld [smem:$0x3FB8];
	_ =	sdelay $0x3  }
0x33: {  	p0 =	seq.s32 s10, $0x1;
	s10 =	sld [smem:$0x3FBA];
	_ =	sdelay $0x3  }
0x34: {  	[smem:$0x3FBA] =	sst s10  }
0x35: {  	s10 =	sld [smem:$0x3FB9];
	_ =	sdelay $0x3  }
0x36: {  	p1 =	seq.s32 s10, $0x1;
	s10 =	sld [smem:$0x3FBA];
	_ =	sdelay $0x3  }
0x37: {  	[smem:$0x3FBA] =	sst s10  }
0x38: {  	s10 =	sld [smem:$0x3FBB]  }
0x39: {  	_ = 	snop;
	(pc) =	sbr.ind lr, $3  }
0x3a: {  	_ = 	snop  }
0x3b: {  	_ = 	snop  }
0x3c: {  	p2 =	seq.s32 s10, $0x1;
	s10 =	sld [smem:$0x3FBA]  }
0x3d: {  	_ =	shalt  }
0x3e: {  	_ =	shalt  }
0x3f: {  	_ =	shalt  }
0x40: {  	_ =	shalt  }
0x41: {  	_ =	shalt  }
0x42: {  	_ =	shalt  }
0x43: {  	_ =	shalt  }
0x44: {  	_ =	shalt  }
0x45: {  	_ =	shalt  }
0x46: {  	_ =	shalt  }
0x47: {  	_ =	shalt  }
0x48: {  	_ =	shalt  }
0x49: {  	_ =	shalt  }
0x4a: {  	_ =	shalt  }
0x4b: {  	_ =	shalt  }
0x4c: {  	_ =	shalt  }
0x4d: {  	_ =	shalt  }
0x4e: {  	_ =	shalt  }
0x4f: {  	_ =	shalt  }
0x50: {  	_ =	shalt  }
0x51: {  	_ =	shalt  }
0x52: {  	_ =	shalt  }
0x53: {  	_ =	shalt  }
0x54: {  	_ =	shalt  }
0x55: {  	_ =	shalt  }
0x56: {  	_ =	shalt  }
0x57: {  	_ =	shalt  }
0x58: {  	_ =	shalt  }
0x59: {  	_ =	shalt  }
0x5a: {  	_ =	shalt  }
0x5b: {  	_ =	shalt  }
0x5c: {  	_ =	shalt  }
0x5d: {  	_ =	shalt  }
0x5e: {  	_ =	shalt  }
0x5f: {  	_ =	shalt  }
0x60: {  	_ =	shalt  }
0x61: {  	_ =	shalt  }
0x62: {  	_ =	shalt  }
0x63: {  	_ =	shalt  }
0x64: {  	_ =	shalt  }
0x65: {  	_ =	shalt  }
0x66: {  	_ =	shalt  }
0x67: {  	_ =	shalt  }
0x68: {  	_ =	shalt  }
0x69: {  	_ =	shalt  }
0x6a: {  	_ =	shalt  }
0x6b: {  	_ =	shalt  }
0x6c: {  	_ =	shalt  }
0x6d: {  	_ =	shalt  }
0x6e: {  	_ =	shalt  }
0x6f: {  	_ =	shalt  }
0x70: {  	_ =	shalt  }
0x71: {  	_ =	shalt  }
0x72: {  	_ =	shalt  }
0x73: {  	_ =	shalt  }
0x74: {  	_ =	shalt  }
0x75: {  	_ =	shalt  }
0x76: {  	_ =	shalt  }
0x77: {  	_ =	shalt  }
0x78: {  	_ =	shalt  }
0x79: {  	_ =	shalt  }
0x7a: {  	_ =	shalt  }
0x7b: {  	_ =	shalt  }
0x7c: {  	_ =	shalt  }
0x7d: {  	_ =	shalt  }
0x7e: {  	_ =	shalt  }
0x7f: {  	_ =	shalt  }
0x80: {  	_ =	shalt  }
0x81: {  	_ =	shalt  }
0x82: {  	_ =	shalt  }
0x83: {  	_ =	shalt  }
0x84: {  	_ =	shalt  }
0x85: {  	_ =	shalt  }
0x86: {  	_ =	shalt  }
0x87: {  	_ =	shalt  }
.Lfunc_end0:
.L_simem_size_0:
called_computation_lowered:
.L_overlay_start_0:
0x88: {  	s2 =	sld [smem:$0x3FD9]  }
0x89: {  	s3 =	sld [smem:$0x3FFE];
	_ =	sdelay $0x1  }
0x8a: {  	s1 =	srdreg.scid  }
0x8b: {  	s0 =	sand.u32 $0x1, s1  }
0x8c: {  	s18 =	sshll.u32 s0, $0xA;
	s2 =	sadd.s32 s3, s2  }
0x8d: {  	s2 =	sadd.s32 s2, s18  }
0x8e: {  	[smem:$0x3FC6] =	sst s2  }
0x8f: {  	_ = 	snop  }
0x90: {  	s2 =	sld [smem:$0x3FC9]  }
0x91: {  	s19 =	sld [smem:$0x3FC8]  }
0x92: {  	s4 =	sld [smem:$0x3FD0];
	(tm) =	ssettm $0x1  }
0x93: {  	s5 =	sld [smem:$0x3FFB];
	_ =	sdelay $0x3  }
0x94: {  	_ =	strace s5  }
0x95: {  	s5 =	sld [smem:$0x3FFC];
	_ =	sdelay $0x3  }
0x96: {  	_ =	strace s5  }
0x97: {  	s5 =	sld [smem:$0x3FFD];
	_ =	sdelay $0x3  }
0x98: {  	_ =	strace s5  }
0x99: {  	_ =	strace $0x8FFFFFFF  }
0x9a: {  	s20 =	sld [smem:$0x3FDB];
	_ =	sdelay $0x1  }
0x9b: {  	s6 =	simm.s32 $_scs_section_size  }
0x9c: {  	s7 =	simm.s32 $_size__tile_overlayer_lowered;
	s8 =	simm.s32 $_tile_overlayer_lowered  }
0x9d: {  	s23 =	simm.s32 $0x1BFF;
	s22 =	sshll.u32 s8, $0x1;
	s5 =	sadd.s32 s6, s20  }
0x9e: {  	s9 =	simm.s32 $0x0;
	s21 =	sshll.u32 s7, $0x1;
	s7 =	sadd.s32 s22, s5  }
0x9f: {  	[timem:s9], [sflag:s23] =	dma.local [hbm:s7], s21  }
0xa0: {  	_ =	swait.ge [sflag:s23], s21  }
0xa1: {  	s6 =	ssub.s32 $0x0, s21;
	[sflag:s23] =	ssyncset.done $0x0  }
0xa2: {  	[sflag:s23] =	ssyncadd.s32 s6;
	_ =	sdelay $0x1  }
0xa3: {  	s24 =	simm.s32 $0x1B8B  }
0xa4: {  	_ =	swait.ge [sflag:s24], $0x1  }
0xa5: {  	[sflag:s24] =	ssyncset.done $0x0  }
0xa6: {  	s25 =	simm.s32 $0x1B8E;
	[sflag:s24] =	ssyncadd.s32 $0xFFFFFFFF  }
0xa7: {  	s26 =	simm.s32 $execute0_lowered;
	[smem:$0x3FD2] =	sst s25  }
0xa8: {  	s6 =	sshll.u32 s26, $0x1;
	_ =	strace $0x80000046;
	[dreg:$0x1] =	wrdreg $0xFFFFFFFF  }
0xa9: {  	s28 =	simm.s32 $_size_execute0_lowered;
	s5 =	sadd.s32 s5, s6;
	[dreg:$0x0] =	wrdreg $0x0  }
0xaa: {  	s6 =	sshll.u32 s28, $0x1;
	[dreg:$0x2] =	wrdreg s5  }
0xab: {  	[dreg:$0x3] =	wrdreg s6  }
0xac: {  	[dreg:$0x4] =	wrdreg $0xC0  }
0xad: {  	_ =	task [dreg:s9], $0x5FFFF  }
0xae: {  	[dreg:$0x1] =	wrdreg $0xFFFFFFFF  }
0xaf: {  	[dreg:$0x0] =	wrdreg $0x60  }
0xb0: {  	[dreg:$0x2] =	wrdreg s2  }
0xb1: {  	[dreg:$0x3] =	wrdreg s19  }
0xb2: {  	[dreg:$0x4] =	wrdreg s4  }
0xb3: {  	[dreg:$0x5] =	wrdreg $0x9  }
0xb4: {  	_ =	task.clear_ibuf [dreg:s9], $0x6FFFF;
	_ =	strace $0x90000046  }
0xb5: {  	s29 =	simm.s32 $0x9;
	_ =	strace $0x80000048  }
0xb6: {  	_ =	swait.ge [sflag:s29], $0x1  }
0xb7: {  	[sflag:s29] =	ssyncadd.s32 $0xFFFFFFFF  }
0xb8: {  	_ =	strace $0x90000048  }
0xb9: {  	_ =	sfence  }
0xba: {  	s30 =	sld [smem:$0x0];
	_ =	sdelay $0x2  }
0xbb: {  	s31 =	sshll.u32 s1, $0xD;
	s1 =	sshrl.u32 s1, $0x2  }
0xbc: {  	s3 =	sand.u32 $0x4000, s31;
	s1 =	sadd.s32 s1, s30  }
0xbd: {  	s0 =	sor.u32 s3, s0;
	s1 =	sshll.u32 s1, $0x11  }
0xbe: {  	s0 =	sor.u32 s1, s0  }
0xbf: {  	s0 =	sadd.s32 $0x8F2B, s0  }
0xc0: {  	[sflag:s0] =	ssyncadd.remote.s32 $0x1  }
0xc1: {  	_ =	sfence.sel $0xFFFF  }
0xc2: {  	[dreg:$0x0] =	wrdreg $0xFFFFFFFF;
	(pc) =	sbr.abs _section_cstart, $3  }
0xc3: {  	[dreg:$0x1] =	wrdreg $0xFFFFFFFF  }
0xc4: {  	_ =	task.clear_ibuf [dreg:s9], $0x2FFFF;
	_ =	strace $0x9FFFFFFF  }
0xc5: {  	(tm) =	ssettm $0x7FFFFFFF  }
tec
execute0_lowered:
.L_overlay_start_1:
0x0: {  	(tag) =	ssettag $0x1  }
0x1: {  	s0 =	rddreg [dreg:$0x0]  }
0x2: {  	s2 =	rddreg [dreg:$0x1]  }
0x3: {  	s1 =	rddreg [dreg:$0x2]  }
0x4: {  	s3 =	srdreg.scid;
	s6 =	stileid.u32  }
0x5: {  	s31 =	simm.s32 $0xD;
	s9 =	simm.s32 $0x10;
	s10 =	simm.s32 $0x11  }
0x6: {  	s11 =	simm.s32 $0x12;
	s12 =	simm.s32 $0x13;
	s13 =	simm.s32 $0x14  }
0x7: {  	s14 =	simm.s32 $0x15;
	s15 =	simm.s32 $0x16;
	s16 =	simm.s32 $0x17  }
0x8: {  	s4 =	sand.u32 $0x1, s3;
	s5 =	smul.u32 $0x190000, s6;
	s6 =	sshll.u32 s6, $0x1  }
0x9: {  	s7 =	smul.u32 $0xC8000, s4;
	s8 =	ssub.s32 $0x2, s4;
	s4 =	sor.u32 s4, s6  }
0xa: {  	s17 =	simm.s32 $0x18;
	s3 =	simm.s32 $0x0;
	s4 =	smul.u32 $0x320, s4  }
0xb: {  	s18 =	simm.s32 $0x0;
	[smem:$0x7FF] =	sst s3;
	s29 =	sshrl.u32 s8, $0x1  }
0xc: {  	_ =	strace $0x80000047;
	s6 =	ssub.s32 s8, s29;
	s0 =	sadd.s32 s0, s4  }
0xd: {  	s5 =	sadd.s32 s7, s5;
	s30 =	smax.u32 s6, $0x1;
	[dreg:$0x4] =	wrdreg s0  }
0xe: {  	s8 =	simm.s32 $0x40;
	s7 =	sshrl.u32 s5, $0x3;
	[dreg:$0x5] =	wrdreg s30  }
0xf: {  	s6 =	sadd.s32 s7, s1;
	s0 =	simm.s32 $0xE;
	s1 =	simm.s32 $0xF  }
.LBB2_1:
0x10: {  	s4 =	rddreg [dreg:$0x4];
	s7 =	simm.s32 $0x19  }
0x11: {  	[tilespmem:s3], [sflag:$0x19] =	stream.linear.gather [hbm4b:s4+s3], $0x1900, $0x38;
	[tilespmem:$0x19900] =	vst v63  }
0x12: {  	_ =	swait.ge [sflag:s7], $0x1900  }
0x13: {  	[sflag:s7] =	ssyncset.done $0x0  }
0x14: {  	s19 =	simm.s32 $0x1900;
	[sflag:s7] =	ssyncadd.s32 $0xFFFFE700  }
0x15: {  	[tilespmem:s19], [sflag:$0x1] =	stream.indirect.gather [hbm4b:s2+s8], $0x80, s3, s8, $0xb8;
	[tilespmem:$0x19900] =	vst v63  }
0x16: {  	s20 =	simm.s32 $0x3900  }
0x17: {  	[tilespmem:s20], [sflag:$0x2] =	stream.indirect.gather [hbm4b:s2+s8], $0x80, s8, s8, $0xb8;
	[tilespmem:$0x19900] =	vst v63  }
0x18: {  	s21 =	simm.s32 $0x80;
	s5 =	simm.s32 $0x5900  }
0x19: {  	[tilespmem:s5], [sflag:$0x3] =	stream.indirect.gather [hbm4b:s2+s8], $0x80, s21, s8, $0xb8;
	[tilespmem:$0x19900] =	vst v63  }
0x1a: {  	s22 =	simm.s32 $0xC0;
	s23 =	simm.s32 $0x7900  }
0x1b: {  	[tilespmem:s23], [sflag:$0x4] =	stream.indirect.gather [hbm4b:s2+s8], $0x80, s22, s8, $0xb8;
	[tilespmem:$0x19900] =	vst v63  }
0x1c: {  	s24 =	simm.s32 $0x100;
	s25 =	simm.s32 $0x9900  }
0x1d: {  	[tilespmem:s25], [sflag:$0x5] =	stream.indirect.gather [hbm4b:s2+s8], $0x80, s24, s8, $0xb8;
	[tilespmem:$0x19900] =	vst v63  }
0x1e: {  	s26 =	simm.s32 $0x140;
	s29 =	simm.s32 $0xB900  }
0x1f: {  	[tilespmem:s29], [sflag:$0x6] =	stream.indirect.gather [hbm4b:s2+s8], $0x80, s26, s8, $0xb8;
	[tilespmem:$0x19900] =	vst v63  }
0x20: {  	s30 =	simm.s32 $0xD900;
	s20 =	simm.s32 $0x180  }
0x21: {  	[tilespmem:s30], [sflag:$0x7] =	stream.indirect.gather [hbm4b:s2+s8], $0x80, s20, s8, $0xb8;
	[tilespmem:$0x19900] =	vst v63  }
0x22: {  	s7 =	simm.s32 $0xF900;
	s5 =	simm.s32 $0x1C0  }
0x23: {  	[tilespmem:s7], [sflag:$0x8] =	stream.indirect.gather [hbm4b:s2+s8], $0x80, s5, s8, $0xb8;
	[tilespmem:$0x19900] =	vst v63  }
0x24: {  	s19 =	simm.s32 $0x200;
	s21 =	simm.s32 $0x11900  }
0x25: {  	[tilespmem:s21], [sflag:$0x9] =	stream.indirect.gather [hbm4b:s2+s8], $0x80, s19, s8, $0xb8;
	[tilespmem:$0x19900] =	vst v63  }
0x26: {  	p0 =	por $0x1, $0x1;
	s22 =	simm.s32 $0x240;
	s19 =	simm.s32 $0x0  }
0x27: {  	s23 =	simm.s32 $0x13900;
	s24 =	simm.s32 $0x280;
	s19 =	smul.u32 $0xAB, s19  }
0x28: {  	[tilespmem:s23], [sflag:$0xA] =	stream.indirect.gather [hbm4b:s2+s8], $0x80, s22, s8, $0xb8;
	[tilespmem:$0x19900] =	vst v63  }
0x29: {  	s25 =	simm.s32 $0x15900;
	s21 =	simm.s32 @!p0 $0x6;
	s19 =	sshrl.u32 s19, $0xB  }
0x2a: {  	[tilespmem:s25], [sflag:$0xB] =	stream.indirect.gather [hbm4b:s2+s8], $0x80, s24, s8, $0xb8;
	[tilespmem:$0x19900] =	vst v63  }
0x2b: {  	s21 =	smul.u32 @!p0 $0xAB, s21;
	s19 =	sand.u32 $0x1F, s19  }
0x2c: {  	s26 =	simm.s32 $0x2C0;
	s29 =	simm.s32 $0x17900;
	s19 =	smul.u32 $0xC, s19  }
0x2d: {  	[tilespmem:s29], [sflag:$0xC] =	stream.indirect.gather [hbm4b:s2+s8], $0x80, s26, s8, $0xb8;
	[tilespmem:$0x19900] =	vst v63  }
0x2e: {  	p0 =	por p0, p0;
	s19 =	ssub.s32 $0x0, s19  }
0x2f: {  	s21 =	sshrl.u32 @!p0 s21, $0xB;
	s19 =	sand.u32 $0xFF, s19  }
0x30: {  	s22 =	simm.s32 $0xFFFFFFFB;
	s21 =	sand.u32 @!p0 $0x1F, s21;
	s24 =	sadd.s32 $0x1, s19  }
0x31: {  	s23 =	simm.s32 $0xFFFFFFFC;
	s21 =	smul.u32 @!p0 $0xC, s21;
	_ =	swait.ge [sflag:s24], $0x2000  }
0x32: {  	s25 =	sshll.u32 s19, $0xD;
	s19 =	sadd.s32 $0xD, s19;
	[sflag:s24] =	ssyncset.done $0x0  }
0x33: {  	s30 =	sor.u32 $0x1900, s25;
	[sflag:s24] =	ssyncadd.s32 $0xFFFFE000;
	s24 =	ssub.s32 @!p0 $0x6, s21  }
0x34: {  	[hbm4b:s6+s3] =	stream.linear.scatter [tilespmem:s30], [sflag:s19], $0x2000, $0x38;
	[tilespmem:$0x19900] =	vst v63  }
0x35: {  	s21 =	sadd.s32 $0x400, s6;
	s19 =	simm.s32 $0x1C0;
	s28 =	sand.u32 @!p0 $0xFF, s24  }
0x36: {  	s24 =	simm.s32 $0x1;
	s25 =	sadd.s32 @!p0 $0xD, s28;
	s26 =	sshll.u32 @!p0 s28, $0xD  }
.LBB2_2:
0x37: {  	s29 =	smul.u32 $0xAB, s24;
	s28 =	sadd.s32 @!p0 $0x1, s28  }
0x38: {  	s30 =	smov.u32 s23;
	s23 =	sadd.s32 $0x1, s23;
	s4 =	smov.u32 s21  }
0x39: {  	p2 =	sgt.u32 s22, $0x57;
	s5 =	simm.s32 @!p0 $0x40;
	_ =	swait.ge @!p0 [sflag:s25], $0x2000  }
0x3a: {  	s7 =	sadd.s32 @!p2 $0xC, s22;
	s29 =	sshrl.u32 s29, $0xB;
	[sflag:s25] =	ssyncset.done @!p0 $0x0  }
0x3b: {  	s26 =	sor.u32 @!p0 $0x1900, s26;
	s22 =	sand.u32 $0x1F, s29;
	[sflag:s25] =	ssyncadd.s32 @!p0 $0xFFFFE000  }
0x3c: {  	[tilespmem:s26], [sflag:s28] =	stream.indirect.gather @!p0 [hbm4b:s2+s5], $0x80, s20, s5, $0xb8;
	[tilespmem:$0x19900] =	vst v63  }
0x3d: {  	p1 =	sne.s32 s23, $0x5E;
	s5 =	smul.u32 $0xC, s22;
	s22 =	smov.u32 s30  }
0x3e: {  	s25 =	smul.u32 @!p2 $0xAB, s7;
	s20 =	smov.u32 s19;
	p0 =	por p2, p2  }
0x3f: {  	s5 =	ssub.s32 s24, s5  }
0x40: {  	s24 =	sshrl.u32 @!p0 s25, $0xB;
	s5 =	sand.u32 $0xFF, s5  }
0x41: {  	s24 =	sand.u32 @!p0 $0x1F, s24;
	s25 =	sadd.s32 $0x1, s5;
	s26 =	sshll.u32 s5, $0xD  }
0x42: {  	s24 =	smul.u32 @!p0 $0xC, s24;
	_ =	swait.ge [sflag:s25], $0x2000  }
.Ltmp0:
0x43: {  	s19 =	sadd.s32 $0x40, s19;
	[sflag:s25] =	ssyncset.done $0x0;
	(pc) =	sbr.rel @p1 .LBB2_2-.Ltmp0, $4  }
0x44: {  	s21 =	sadd.s32 $0x400, s21;
	s7 =	ssub.s32 @!p0 s7, s24;
	[sflag:s25] =	ssyncadd.s32 $0xFFFFE000  }
0x45: {  	s5 =	sadd.s32 $0xD, s5;
	s24 =	sor.u32 $0x1900, s26;
	s28 =	sand.u32 @!p0 $0xFF, s7  }
0x46: {  	[hbm4b:s4+s3] =	stream.linear.scatter [tilespmem:s24], [sflag:s5], $0x2000, $0x38;
	[tilespmem:$0x19900] =	vst v63  }
0x47: {  	s25 =	sadd.s32 @!p0 $0xD, s28;
	s26 =	sshll.u32 @!p0 s28, $0xD;
	s24 =	sadd.s32 $0x6, s22  }
0x48: {  	s4 =	smul.u32 $0xAB, s24  }
0x49: {  	s5 =	sadd.s32 @!p0 $0x1, s28;
	p1 =	sgt.u32 s22, $0x57;
	_ =	swait.ge @!p0 [sflag:s25], $0x2000  }
0x4a: {  	s7 =	simm.s32 @!p0 $0x40;
	[sflag:s25] =	ssyncset.done @!p0 $0x0;
	s4 =	sshrl.u32 s4, $0xB  }
0x4b: {  	s23 =	sor.u32 @!p0 $0x1900, s26;
	[sflag:s25] =	ssyncadd.s32 @!p0 $0xFFFFE000;
	s4 =	sand.u32 $0x1F, s4  }
0x4c: {  	[tilespmem:s23], [sflag:s5] =	stream.indirect.gather @!p0 [hbm4b:s2+s7], $0x80, s20, s7, $0xb8;
	[tilespmem:$0x19900] =	vst v63  }
0x4d: {  	s5 =	sadd.s32 @!p1 $0xC, s22;
	s4 =	smul.u32 $0xC, s4  }
0x4e: {  	s7 =	smul.u32 @!p1 $0xAB, s5  }
0x4f: {  	p0 =	por p1, p1  }
0x50: {  	s4 =	ssub.s32 s24, s4;
	s7 =	sshrl.u32 @!p0 s7, $0xB  }
0x51: {  	s4 =	sand.u32 $0xFF, s4;
	s7 =	sand.u32 @!p0 $0x1F, s7  }
0x52: {  	s26 =	sadd.s32 $0x1, s4;
	s7 =	smul.u32 @!p0 $0xC, s7  }
0x53: {  	s28 =	sshll.u32 s4, $0xD;
	_ =	swait.ge [sflag:s26], $0x2000  }
0x54: {  	s4 =	sadd.s32 $0xD, s4;
	[sflag:s26] =	ssyncset.done $0x0;
	s5 =	ssub.s32 @!p0 s5, s7  }
0x55: {  	s29 =	sor.u32 $0x1900, s28;
	[sflag:s26] =	ssyncadd.s32 $0xFFFFE000;
	s5 =	sand.u32 @!p0 $0xFF, s5  }
0x56: {  	[hbm4b:s21+s3] =	stream.linear.scatter [tilespmem:s29], [sflag:s4], $0x2000, $0x38;
	[tilespmem:$0x19900] =	vst v63  }
0x57: {  	s4 =	sadd.s32 @!p0 $0xD, s5  }
0x58: {  	_ =	swait.ge @!p0 [sflag:s4], $0x2000  }
0x59: {  	s20 =	simm.s32 @!p0 $0x40;
	s7 =	sshll.u32 @!p0 s5, $0xD;
	[sflag:s4] =	ssyncset.done @!p0 $0x0  }
0x5a: {  	s5 =	sadd.s32 @!p0 $0x1, s5;
	s7 =	sor.u32 @!p0 $0x1900, s7;
	[sflag:s4] =	ssyncadd.s32 @!p0 $0xFFFFE000  }
0x5b: {  	[tilespmem:s7], [sflag:s5] =	stream.indirect.gather @!p0 [hbm4b:s2+s20], $0x80, s19, s20, $0xb8;
	[tilespmem:$0x19900] =	vst v63  }
0x5c: {  	_ =	swait.ge [sflag:s31], $0x2000  }
0x5d: {  	[sflag:s31] =	ssyncset.done $0x0  }
0x5e: {  	[sflag:s31] =	ssyncadd.s32 $0xFFFFE000  }
0x5f: {  	_ =	swait.ge [sflag:s0], $0x2000  }
0x60: {  	[sflag:s0] =	ssyncset.done $0x0  }
0x61: {  	[sflag:s0] =	ssyncadd.s32 $0xFFFFE000  }
0x62: {  	_ =	swait.ge [sflag:s1], $0x2000  }
0x63: {  	[sflag:s1] =	ssyncset.done $0x0  }
0x64: {  	[sflag:s1] =	ssyncadd.s32 $0xFFFFE000  }
0x65: {  	_ =	swait.ge [sflag:s9], $0x2000  }
0x66: {  	[sflag:s9] =	ssyncset.done $0x0  }
0x67: {  	[sflag:s9] =	ssyncadd.s32 $0xFFFFE000  }
0x68: {  	_ =	swait.ge [sflag:s10], $0x2000  }
0x69: {  	[sflag:s10] =	ssyncset.done $0x0  }
0x6a: {  	[sflag:s10] =	ssyncadd.s32 $0xFFFFE000  }
0x6b: {  	_ =	swait.ge [sflag:s11], $0x2000  }
0x6c: {  	[sflag:s11] =	ssyncset.done $0x0  }
0x6d: {  	[sflag:s11] =	ssyncadd.s32 $0xFFFFE000  }
0x6e: {  	_ =	swait.ge [sflag:s12], $0x2000  }
0x6f: {  	[sflag:s12] =	ssyncset.done $0x0  }
0x70: {  	[sflag:s12] =	ssyncadd.s32 $0xFFFFE000  }
0x71: {  	_ =	swait.ge [sflag:s13], $0x2000  }
0x72: {  	[sflag:s13] =	ssyncset.done $0x0  }
0x73: {  	[sflag:s13] =	ssyncadd.s32 $0xFFFFE000  }
0x74: {  	_ =	swait.ge [sflag:s14], $0x2000  }
0x75: {  	[sflag:s14] =	ssyncset.done $0x0  }
0x76: {  	[sflag:s14] =	ssyncadd.s32 $0xFFFFE000  }
0x77: {  	_ =	swait.ge [sflag:s15], $0x2000  }
0x78: {  	[sflag:s15] =	ssyncset.done $0x0  }
0x79: {  	[sflag:s15] =	ssyncadd.s32 $0xFFFFE000  }
0x7a: {  	_ =	swait.ge [sflag:s16], $0x2000  }
0x7b: {  	[sflag:s16] =	ssyncset.done $0x0  }
0x7c: {  	[sflag:s16] =	ssyncadd.s32 $0xFFFFE000  }
0x7d: {  	_ =	swait.ge [sflag:s17], $0x2000  }
0x7e: {  	s18 =	sadd.s32 $0x1, s18;
	s30 =	rddreg [dreg:$0x5]  }
0x7f: {  	p0 =	sne.s32 s18, s30  }
.Ltmp1:
0x80: {  	_ = 	snop;
	(pc) =	sbr.rel @p0 .LBB2_1-.Ltmp1, $3  }
0x81: {  	_ =	sdelay $0x1  }
0x82: {  	[sflag:s17] =	ssyncset.done $0x0  }
0x83: {  	[sflag:s17] =	ssyncadd.s32 $0xFFFFE000  }
0x84: {  	_ =	sfence.sel $0x180000  }
0x85: {  	[bflag:$0x0] =	sbarrier.arrive $0xFFFF  }
0x86: {  	_ =	strace $0x90000047  }
0x87: {  	s0 =	stileid.u32;
	[bflag:$0x2] =	sbarrier.arrive $0xFFFF  }
0x88: {  	p0 =	sne.s32 s0, $0x0;
	s0 =	rddreg [dreg:$0x3]  }
0x89: {  	s0 =	sadd.s32 @!p0 $0x100000, s0  }
0x8a: {  	[sflag:s0] =	ssyncadd.tile.s32 @!p0 $0x1;
	_ =	shalt  }
.Lfunc_end2:
_tile_overlayer_lowered:
.L_overlay_start_2:
0x8b: {  	(tag) =	ssettag $0x2  }
0x8c: {  	s0 =	rddreg [dreg:$0x0];
	s2 =	stileid.u32  }
0x8d: {  	s1 =	rddreg [dreg:$0x1];
	p0 =	sne.s32 s2, $0x0  }
0x8e: {  	s3 =	rddreg [dreg:$0x2];
	[bflag:$0x3] =	sbarrier.arrive $0xFFFF;
	s2 =	simm.s32 @!p0 $0x1C19  }
0x8f: {  	[timem:s3], [sflag:s2] =	dma.local @!p0 [hbm:s0], s1  }
0x90: {  	s0 =	simm.s32 @!p0 $0x19  }
0x91: {  	_ =	swait.ge @!p0 [sflag:s0], s1  }
0x92: {  	s1 =	ssub.s32 @!p0 $0x0, s1;
	[sflag:s0] =	ssyncset.done @!p0 $0x0  }
0x93: {  	[sflag:s0] =	ssyncadd.s32 @!p0 s1  }
0x94: {  	[bflag:$0x3] =	sbarrier.arrive $0xFFFF  }
0x95: {  	_ =	shalt  }

</sc_bundles>
